<compile_context>
chip_gen: v7x
topology: tpu7x:2x2x1
jax: 0.10.2.dev20260603
libtpu: 0.0.44.dev20260713+nightly
codegen_flags: <defaults>
</compile_context>

<pallas_src>
import functools

import functools

import jax
import jax.numpy as jnp
from jax import lax
from jax.experimental import pallas as pl
from jax.experimental.pallas import tpu as pltpu
from jax.experimental.pallas import tpu_sc as plsc

NUM_GROUP = 512
GROUP_SIZE = 32
B = 32
N = 8192


def _fma_sq_add(a, c):
    t = a * 4097.0
    u = t - a
    hi = t - u
    lo = a - hi
    p = a * a
    hh = hi * hi
    e = ((hh - p) + (hi * lo) * 2.0) + lo * lo
    s = c + p
    bv = s - c
    err = (c - (s - bv)) + (p - bv)
    return s + (err + e)


def _ref_dist(dx, dy, dz):
    return _fma_sq_add(dz, _fma_sq_add(dy, dx * dx))


def _fps_kernel(xt_ref, idx_ref, ctr_ref, dist_ref):
    x = xt_ref[0]
    y = xt_ref[1]
    z = xt_ref[2]
    dist_ref[...] = jnp.full((B, N), 1e10, jnp.float32)
    iota = (jax.lax.broadcasted_iota(jnp.int32, (B, N), 1)
            + jax.lax.broadcasted_iota(jnp.int32, (B, N), 0) * 0)
    giota = (jax.lax.broadcasted_iota(jnp.int32, (B, NUM_GROUP), 1)
             + jax.lax.broadcasted_iota(jnp.int32, (B, NUM_GROUP), 0) * 0)

    def step(t, carry):
        far, idx_acc, cx_acc, cy_acc, cz_acc = carry
        onehot = iota == far
        cx = jnp.sum(jnp.where(onehot, x, 0.0), axis=1, keepdims=True)
        cy = jnp.sum(jnp.where(onehot, y, 0.0), axis=1, keepdims=True)
        cz = jnp.sum(jnp.where(onehot, z, 0.0), axis=1, keepdims=True)
        slot = giota == t
        idx_acc = jnp.where(slot, far, idx_acc)
        cx_acc = jnp.where(slot, cx, cx_acc)
        cy_acc = jnp.where(slot, cy, cy_acc)
        cz_acc = jnp.where(slot, cz, cz_acc)
        d = _ref_dist(x - cx, y - cy, z - cz)
        nd = jnp.minimum(dist_ref[...], d)
        dist_ref[...] = nd
        m = jnp.max(nd, axis=1, keepdims=True)
        nxt = jnp.min(jnp.where(nd == m, iota, N), axis=1, keepdims=True)
        return (nxt, idx_acc, cx_acc, cy_acc, cz_acc)

    idx_ref[...] = jnp.zeros((B, NUM_GROUP), jnp.int32)
    ctr_ref[...] = jnp.zeros((3, B, NUM_GROUP), jnp.float32)
    far0 = jnp.min(iota, axis=1, keepdims=True)
    init = (far0, idx_ref[...], ctr_ref[0], ctr_ref[1], ctr_ref[2])
    _, idx_acc, cx_acc, cy_acc, cz_acc = jax.lax.fori_loop(
        0, NUM_GROUP, step, init)
    idx_ref[...] = idx_acc
    ctr_ref[0] = cx_acc
    ctr_ref[1] = cy_acc
    ctr_ref[2] = cz_acc


def _fps_pallas(xt):
    return pl.pallas_call(
        _fps_kernel,
        out_shape=[
            jax.ShapeDtypeStruct((B, NUM_GROUP), jnp.int32),
            jax.ShapeDtypeStruct((3, B, NUM_GROUP), jnp.float32),
        ],
        scratch_shapes=[pltpu.VMEM((B, N), jnp.float32)],
    )(xt)


def _index_points(points, idx):
    return jax.vmap(lambda p, i: p[i])(points, idx)


GT = 64


def _knn_kernel(ct_ref, xt_ref, idx_ref, d2_ref, iota_ref):
    c = ct_ref[0]
    x3 = xt_ref[0]
    x = x3[0:1, :]
    y = x3[1:2, :]
    z = x3[2:3, :]
    x2 = (x * x + y * y) + z * z
    cx = c[:, 0:1]
    cy = c[:, 1:2]
    cz = c[:, 2:3]
    c2 = (cx * cx + cy * cy) + cz * cz
    e = jax.lax.dot_general(c, x3, (((1,), (0,)), ((), ())),
                            preferred_element_type=jnp.float32)
    d2_ref[...] = (c2 + x2) - 2.0 * e
    iota_ref[...] = (jax.lax.broadcasted_iota(jnp.int32, (GT, N), 1)
                     + jax.lax.broadcasted_iota(jnp.int32, (GT, N), 0) * 0)
    kiota = (jax.lax.broadcasted_iota(jnp.int32, (GT, GROUP_SIZE), 1)
             + jax.lax.broadcasted_iota(jnp.int32, (GT, GROUP_SIZE), 0) * 0)
    idx_ref[0] = jnp.zeros((GT, GROUP_SIZE), jnp.int32)
    idx0 = idx_ref[0]

    def round_k(kk, idx_acc):
        dv = d2_ref[...]
        io = iota_ref[...]
        m = jnp.min(dv, axis=1, keepdims=True)
        cand = jnp.where(dv == m, io, N)
        ai = jnp.min(cand, axis=1, keepdims=True)
        d2_ref[...] = jnp.where(io == ai, jnp.inf, dv)
        return jnp.where(kiota == kk, ai, idx_acc)

    idx_ref[0] = jax.lax.fori_loop(0, GROUP_SIZE, round_k, idx0)


def _knn_pallas(center, xtb):
    return pl.pallas_call(
        _knn_kernel,
        out_shape=jax.ShapeDtypeStruct((B, NUM_GROUP, GROUP_SIZE), jnp.int32),
        grid=(B, NUM_GROUP // GT),
        in_specs=[
            pl.BlockSpec((1, GT, 3), lambda b, g: (b, g, 0)),
            pl.BlockSpec((1, 3, N), lambda b, g: (b, 0, 0)),
        ],
        out_specs=pl.BlockSpec((1, GT, GROUP_SIZE), lambda b, g: (b, g, 0)),
        scratch_shapes=[pltpu.VMEM((GT, N), jnp.float32),
                        pltpu.VMEM((GT, N), jnp.int32)],
    )(center, xtb)


_SC_CORES = 2
_SC_SUBCORES = 16
_FLAT = NUM_GROUP * GROUP_SIZE


def _gather_sc_kernel(xt_hbm, idx_hbm, ctr_hbm, out_hbm, xv, iv, cv, ov):
    wid = lax.axis_index("s") * _SC_CORES + lax.axis_index("c")
    for c in range(3):
        pltpu.sync_copy(xt_hbm.at[pl.ds((c * B + wid) * N, N)],
                        xv.at[pl.ds(c * N, N)])
        pltpu.sync_copy(ctr_hbm.at[pl.ds((c * B + wid) * NUM_GROUP, NUM_GROUP)],
                        cv.at[pl.ds(c * NUM_GROUP, NUM_GROUP)])
    pltpu.sync_copy(idx_hbm.at[pl.ds(wid * _FLAT, _FLAT)], iv)
    lanes = lax.iota(jnp.int32, 16)

    def chunk(j, carry):
        ii = iv[pl.ds(j * 16, 16)]
        g = j // 2
        gsplat = jnp.zeros((16,), jnp.int32) + g
        pos0 = lanes * 3 + j * 48
        for c in range(3):
            cval = plsc.load_gather(cv, [gsplat + c * NUM_GROUP])
            vals = plsc.load_gather(xv, [ii + c * N])
            plsc.store_scatter(ov, [pos0 + c], vals - cval)
        return carry

    lax.fori_loop(0, _FLAT // 16, chunk, 0)
    pltpu.sync_copy(ov, out_hbm.at[pl.ds(wid * (_FLAT * 3), _FLAT * 3)])


@jax.jit
def _gather_sc(xt_flat, idx_flat, ctr_flat):
    mesh = plsc.VectorSubcoreMesh(core_axis_name="c", subcore_axis_name="s")
    return pl.kernel(
        _gather_sc_kernel,
        mesh=mesh,
        compiler_params=pltpu.CompilerParams(needs_layout_passes=False),
        out_type=jax.ShapeDtypeStruct((B * _FLAT * 3,), jnp.float32),
        scratch_types=[
            pltpu.VMEM((3 * N,), jnp.float32),
            pltpu.VMEM((_FLAT,), jnp.int32),
            pltpu.VMEM((3 * NUM_GROUP,), jnp.float32),
            pltpu.VMEM((_FLAT * 3,), jnp.float32),
        ],
    )(xt_flat, idx_flat, ctr_flat)


def kernel(xyz):
    xt = jnp.transpose(xyz, (2, 0, 1))
    center_idx, ctr = _fps_pallas(xt)
    center = jnp.transpose(ctr, (1, 2, 0))
    xtb = jnp.transpose(xyz, (0, 2, 1))
    idx = _knn_pallas(center, xtb)
    flat = _gather_sc(xt.reshape(-1), idx.reshape(-1), ctr.reshape(-1))
    neighborhood = flat.reshape(B, NUM_GROUP, GROUP_SIZE, 3)
    return (neighborhood, center, idx)

# --- scband reference (transcript-rebuilt; emitter-appended) ---
"""Pipeline reference for scband-group-74509092651098 (READ-ONLY COPY).

The authoritative reference and input builder live on the scoring server;
editing this copy changes nothing except your own understanding.
"""

import jax, jax.numpy as jnp
import numpy as np

NUM_GROUP = 512
GROUP_SIZE = 32


def fps(xyz, num_group):
    # Farthest point sampling. xyz: (B, N, 3) -> indices (B, num_group) int32
    B, N, _ = xyz.shape

    def step(carry, _):
        distances, farthest = carry
        centroid = jnp.take_along_axis(xyz, farthest[:, None, None], axis=1)  # (B,1,3)
        d = jnp.sum((xyz - centroid) ** 2, axis=-1)  # (B,N)
        distances = jnp.minimum(distances, d)
        nxt = jnp.argmax(distances, axis=-1).astype(jnp.int32)
        return (distances, nxt), farthest

    init = (jnp.full((B, N), 1e10, dtype=xyz.dtype), jnp.zeros((B,), dtype=jnp.int32))
    _, idxs = jax.lax.scan(step, init, None, length=num_group)  # (G, B)
    return jnp.transpose(idxs, (1, 0))  # (B, G)


def index_points(points, idx):
    # points: (B, N, C); idx: (B, ...) -> (B, ..., C)
    return jax.vmap(lambda p, i: p[i])(points, idx)


def setup_inputs(seed: int = 0) -> dict:
    key = jax.random.key(seed)
    xyz = jax.random.normal(key, (32, 8192, 3), dtype=jnp.float32)
    return {"xyz": xyz}


def reference(xyz):
    # center = fps(xyz, num_group)
    center_idx = fps(xyz, NUM_GROUP)                      # (B, G)
    center = index_points(xyz, center_idx)                # (B, G, 3)
    # knn_points(center, xyz, K=group_size) -> nearest-neighbor indices (sorted by distance)
    d2 = (jnp.sum(center ** 2, axis=-1)[:, :, None]
          + jnp.sum(xyz ** 2, axis=-1)[:, None, :]
          - 2.0 * jnp.einsum('bgd,bnd->bgn', center, xyz))  # (B, G, N)
    _, idx = jax.lax.top_k(-d2, GROUP_SIZE)               # (B, G, K), ascending distance
    neighborhood = index_points(xyz, idx)                 # (B, G, K, 3)
    neighborhood = neighborhood - center[:, :, None, :]
    return (neighborhood, center, idx)

if __name__ == "__main__":
    import jax
    _d = setup_inputs()
    print(jax.jit(kernel)(*tuple(_d.values())))

</pallas_src>

<mosaic_0001>
#map = affine_map<(d0, d1) -> (0)>
module attributes {stable_mosaic.version = 14 : i64} {
  func.func @_gather_sc_kernel(%arg0: i32, %arg1: i32, %arg2: memref<786432xf32, #tpu.memory_space<hbm>>, %arg3: memref<524288xi32, #tpu.memory_space<hbm>>, %arg4: memref<49152xf32, #tpu.memory_space<hbm>>, %arg5: memref<1572864xf32, #tpu.memory_space<hbm>>, %arg6: memref<24576xf32, #tpu.memory_space<vmem>>, %arg7: memref<16384xi32, #tpu.memory_space<vmem>>, %arg8: memref<1536xf32, #tpu.memory_space<vmem>>, %arg9: memref<49152xf32, #tpu.memory_space<vmem>>) attributes {dimension_semantics = [#tpu.dimension_semantics<core_parallel>, #tpu.dimension_semantics<subcore_parallel>], iteration_bounds = array<i64: 2, 16>, scalar_prefetch = 0 : i64, scratch_operands = 4 : i64, tpu.core_type = #tpu.core_type<sc_vector_subcore>, window_params = [{transform_indices = #map}, {transform_indices = #map}, {transform_indices = #map}, {transform_indices = #map}]} {
    %mul3A = arith.constant 2 : i32
    %mul3A_0 = arith.muli %arg1, %mul3A : i32
    %add3A = arith.addi %mul3A_0, %arg0 : i32
    %add3A_1 = arith.constant 0 : i32
    %add3A_2 = arith.addi %add3A_1, %add3A : i32
    %mul3A_3 = arith.constant 8192 : i32
    %mul3A_4 = arith.muli %add3A_2, %mul3A_3 : i32
    "tpu.region"() ({
      %run_scoped3A = tpu.sem_alloc : memref<!tpu.dma_semaphore, #tpu.memory_space<semaphore_mem>>
      %dma_start3A = arith.constant 0 : i32
      %dma_start3A_34 = tpu.memref_slice %arg6[%dma_start3A] : memref<24576xf32, #tpu.memory_space<vmem>> -> memref<8192xf32, #tpu.memory_space<vmem>>
      %dma_start3A_35 = tpu.memref_slice %arg2[%mul3A_4] : memref<786432xf32, #tpu.memory_space<hbm>> -> memref<8192xf32, #tpu.memory_space<hbm>>
      %dma_start3A_36 = arith.constant 0 : i32
      %dma_start3A_37 = tpu.memref_slice %arg6[%dma_start3A_36] : memref<24576xf32, #tpu.memory_space<vmem>> -> memref<8192xf32, #tpu.memory_space<vmem>>
      %dma_start3A_38 = tpu.memref_slice %arg2[%mul3A_4] : memref<786432xf32, #tpu.memory_space<hbm>> -> memref<8192xf32, #tpu.memory_space<hbm>>
      tpu.enqueue_dma source(%dma_start3A_38 : memref<8192xf32, #tpu.memory_space<hbm>>) target(%dma_start3A_37 : memref<8192xf32, #tpu.memory_space<vmem>>) target_semaphore(%run_scoped3A : memref<!tpu.dma_semaphore, #tpu.memory_space<semaphore_mem>>)
      %dma_wait3A = arith.constant 0 : i32
      %dma_wait3A_39 = tpu.memref_slice %arg6[%dma_wait3A] : memref<24576xf32, #tpu.memory_space<vmem>> -> memref<8192xf32, #tpu.memory_space<vmem>>
      %dma_wait3A_40 = tpu.memref_slice %arg2[%mul3A_4] : memref<786432xf32, #tpu.memory_space<hbm>> -> memref<8192xf32, #tpu.memory_space<hbm>>
      %dma_wait3A_41 = arith.constant 0 : i32
      %dma_wait3A_42 = tpu.memref_slice %arg6[%dma_wait3A_41] : memref<24576xf32, #tpu.memory_space<vmem>> -> memref<8192xf32, #tpu.memory_space<vmem>>
      %dma_wait3A_43 = tpu.memref_slice %arg2[%mul3A_4] : memref<786432xf32, #tpu.memory_space<hbm>> -> memref<8192xf32, #tpu.memory_space<hbm>>
      tpu.wait_dma2 semaphore(%run_scoped3A : memref<!tpu.dma_semaphore, #tpu.memory_space<semaphore_mem>>) src(%dma_wait3A_43 : memref<8192xf32, #tpu.memory_space<hbm>>) dst(%dma_wait3A_42 : memref<8192xf32, #tpu.memory_space<vmem>>)
      tpu.yield
    }) : () -> ()
    %add3A_5 = arith.constant 0 : i32
    %add3A_6 = arith.addi %add3A_5, %add3A : i32
    %mul3A_7 = arith.constant 512 : i32
    %mul3A_8 = arith.muli %add3A_6, %mul3A_7 : i32
    "tpu.region"() ({
      %run_scoped3A = tpu.sem_alloc : memref<!tpu.dma_semaphore, #tpu.memory_space<semaphore_mem>>
      %dma_start3A = arith.constant 0 : i32
      %dma_start3A_34 = tpu.memref_slice %arg8[%dma_start3A] : memref<1536xf32, #tpu.memory_space<vmem>> -> memref<512xf32, #tpu.memory_space<vmem>>
      %dma_start3A_35 = tpu.memref_slice %arg4[%mul3A_8] : memref<49152xf32, #tpu.memory_space<hbm>> -> memref<512xf32, #tpu.memory_space<hbm>>
      %dma_start3A_36 = arith.constant 0 : i32
      %dma_start3A_37 = tpu.memref_slice %arg8[%dma_start3A_36] : memref<1536xf32, #tpu.memory_space<vmem>> -> memref<512xf32, #tpu.memory_space<vmem>>
      %dma_start3A_38 = tpu.memref_slice %arg4[%mul3A_8] : memref<49152xf32, #tpu.memory_space<hbm>> -> memref<512xf32, #tpu.memory_space<hbm>>
      tpu.enqueue_dma source(%dma_start3A_38 : memref<512xf32, #tpu.memory_space<hbm>>) target(%dma_start3A_37 : memref<512xf32, #tpu.memory_space<vmem>>) target_semaphore(%run_scoped3A : memref<!tpu.dma_semaphore, #tpu.memory_space<semaphore_mem>>)
      %dma_wait3A = arith.constant 0 : i32
      %dma_wait3A_39 = tpu.memref_slice %arg8[%dma_wait3A] : memref<1536xf32, #tpu.memory_space<vmem>> -> memref<512xf32, #tpu.memory_space<vmem>>
      %dma_wait3A_40 = tpu.memref_slice %arg4[%mul3A_8] : memref<49152xf32, #tpu.memory_space<hbm>> -> memref<512xf32, #tpu.memory_space<hbm>>
      %dma_wait3A_41 = arith.constant 0 : i32
      %dma_wait3A_42 = tpu.memref_slice %arg8[%dma_wait3A_41] : memref<1536xf32, #tpu.memory_space<vmem>> -> memref<512xf32, #tpu.memory_space<vmem>>
      %dma_wait3A_43 = tpu.memref_slice %arg4[%mul3A_8] : memref<49152xf32, #tpu.memory_space<hbm>> -> memref<512xf32, #tpu.memory_space<hbm>>
      tpu.wait_dma2 semaphore(%run_scoped3A : memref<!tpu.dma_semaphore, #tpu.memory_space<semaphore_mem>>) src(%dma_wait3A_43 : memref<512xf32, #tpu.memory_space<hbm>>) dst(%dma_wait3A_42 : memref<512xf32, #tpu.memory_space<vmem>>)
      tpu.yield
    }) : () -> ()
    %add3A_9 = arith.constant 32 : i32
    %add3A_10 = arith.addi %add3A_9, %add3A : i32
    %mul3A_11 = arith.constant 8192 : i32
    %mul3A_12 = arith.muli %add3A_10, %mul3A_11 : i32
    "tpu.region"() ({
      %run_scoped3A = tpu.sem_alloc : memref<!tpu.dma_semaphore, #tpu.memory_space<semaphore_mem>>
      %dma_start3A = arith.constant 8192 : i32
      %dma_start3A_34 = tpu.memref_slice %arg6[%dma_start3A] : memref<24576xf32, #tpu.memory_space<vmem>> -> memref<8192xf32, #tpu.memory_space<vmem>>
      %dma_start3A_35 = tpu.memref_slice %arg2[%mul3A_12] : memref<786432xf32, #tpu.memory_space<hbm>> -> memref<8192xf32, #tpu.memory_space<hbm>>
      %dma_start3A_36 = arith.constant 8192 : i32
      %dma_start3A_37 = tpu.memref_slice %arg6[%dma_start3A_36] : memref<24576xf32, #tpu.memory_space<vmem>> -> memref<8192xf32, #tpu.memory_space<vmem>>
      %dma_start3A_38 = tpu.memref_slice %arg2[%mul3A_12] : memref<786432xf32, #tpu.memory_space<hbm>> -> memref<8192xf32, #tpu.memory_space<hbm>>
      tpu.enqueue_dma source(%dma_start3A_38 : memref<8192xf32, #tpu.memory_space<hbm>>) target(%dma_start3A_37 : memref<8192xf32, #tpu.memory_space<vmem>>) target_semaphore(%run_scoped3A : memref<!tpu.dma_semaphore, #tpu.memory_space<semaphore_mem>>)
      %dma_wait3A = arith.constant 8192 : i32
      %dma_wait3A_39 = tpu.memref_slice %arg6[%dma_wait3A] : memref<24576xf32, #tpu.memory_space<vmem>> -> memref<8192xf32, #tpu.memory_space<vmem>>
      %dma_wait3A_40 = tpu.memref_slice %arg2[%mul3A_12] : memref<786432xf32, #tpu.memory_space<hbm>> -> memref<8192xf32, #tpu.memory_space<hbm>>
      %dma_wait3A_41 = arith.constant 8192 : i32
      %dma_wait3A_42 = tpu.memref_slice %arg6[%dma_wait3A_41] : memref<24576xf32, #tpu.memory_space<vmem>> -> memref<8192xf32, #tpu.memory_space<vmem>>
      %dma_wait3A_43 = tpu.memref_slice %arg2[%mul3A_12] : memref<786432xf32, #tpu.memory_space<hbm>> -> memref<8192xf32, #tpu.memory_space<hbm>>
      tpu.wait_dma2 semaphore(%run_scoped3A : memref<!tpu.dma_semaphore, #tpu.memory_space<semaphore_mem>>) src(%dma_wait3A_43 : memref<8192xf32, #tpu.memory_space<hbm>>) dst(%dma_wait3A_42 : memref<8192xf32, #tpu.memory_space<vmem>>)
      tpu.yield
    }) : () -> ()
    %add3A_13 = arith.constant 32 : i32
    %add3A_14 = arith.addi %add3A_13, %add3A : i32
    %mul3A_15 = arith.constant 512 : i32
    %mul3A_16 = arith.muli %add3A_14, %mul3A_15 : i32
    "tpu.region"() ({
      %run_scoped3A = tpu.sem_alloc : memref<!tpu.dma_semaphore, #tpu.memory_space<semaphore_mem>>
      %dma_start3A = arith.constant 512 : i32
      %dma_start3A_34 = tpu.memref_slice %arg8[%dma_start3A] : memref<1536xf32, #tpu.memory_space<vmem>> -> memref<512xf32, #tpu.memory_space<vmem>>
      %dma_start3A_35 = tpu.memref_slice %arg4[%mul3A_16] : memref<49152xf32, #tpu.memory_space<hbm>> -> memref<512xf32, #tpu.memory_space<hbm>>
      %dma_start3A_36 = arith.constant 512 : i32
      %dma_start3A_37 = tpu.memref_slice %arg8[%dma_start3A_36] : memref<1536xf32, #tpu.memory_space<vmem>> -> memref<512xf32, #tpu.memory_space<vmem>>
      %dma_start3A_38 = tpu.memref_slice %arg4[%mul3A_16] : memref<49152xf32, #tpu.memory_space<hbm>> -> memref<512xf32, #tpu.memory_space<hbm>>
      tpu.enqueue_dma source(%dma_start3A_38 : memref<512xf32, #tpu.memory_space<hbm>>) target(%dma_start3A_37 : memref<512xf32, #tpu.memory_space<vmem>>) target_semaphore(%run_scoped3A : memref<!tpu.dma_semaphore, #tpu.memory_space<semaphore_mem>>)
      %dma_wait3A = arith.constant 512 : i32
      %dma_wait3A_39 = tpu.memref_slice %arg8[%dma_wait3A] : memref<1536xf32, #tpu.memory_space<vmem>> -> memref<512xf32, #tpu.memory_space<vmem>>
      %dma_wait3A_40 = tpu.memref_slice %arg4[%mul3A_16] : memref<49152xf32, #tpu.memory_space<hbm>> -> memref<512xf32, #tpu.memory_space<hbm>>
      %dma_wait3A_41 = arith.constant 512 : i32
      %dma_wait3A_42 = tpu.memref_slice %arg8[%dma_wait3A_41] : memref<1536xf32, #tpu.memory_space<vmem>> -> memref<512xf32, #tpu.memory_space<vmem>>
      %dma_wait3A_43 = tpu.memref_slice %arg4[%mul3A_16] : memref<49152xf32, #tpu.memory_space<hbm>> -> memref<512xf32, #tpu.memory_space<hbm>>
      tpu.wait_dma2 semaphore(%run_scoped3A : memref<!tpu.dma_semaphore, #tpu.memory_space<semaphore_mem>>) src(%dma_wait3A_43 : memref<512xf32, #tpu.memory_space<hbm>>) dst(%dma_wait3A_42 : memref<512xf32, #tpu.memory_space<vmem>>)
      tpu.yield
    }) : () -> ()
    %add3A_17 = arith.constant 64 : i32
    %add3A_18 = arith.addi %add3A_17, %add3A : i32
    %mul3A_19 = arith.constant 8192 : i32
    %mul3A_20 = arith.muli %add3A_18, %mul3A_19 : i32
    "tpu.region"() ({
      %run_scoped3A = tpu.sem_alloc : memref<!tpu.dma_semaphore, #tpu.memory_space<semaphore_mem>>
      %dma_start3A = arith.constant 16384 : i32
      %dma_start3A_34 = tpu.memref_slice %arg6[%dma_start3A] : memref<24576xf32, #tpu.memory_space<vmem>> -> memref<8192xf32, #tpu.memory_space<vmem>>
      %dma_start3A_35 = tpu.memref_slice %arg2[%mul3A_20] : memref<786432xf32, #tpu.memory_space<hbm>> -> memref<8192xf32, #tpu.memory_space<hbm>>
      %dma_start3A_36 = arith.constant 16384 : i32
      %dma_start3A_37 = tpu.memref_slice %arg6[%dma_start3A_36] : memref<24576xf32, #tpu.memory_space<vmem>> -> memref<8192xf32, #tpu.memory_space<vmem>>
      %dma_start3A_38 = tpu.memref_slice %arg2[%mul3A_20] : memref<786432xf32, #tpu.memory_space<hbm>> -> memref<8192xf32, #tpu.memory_space<hbm>>
      tpu.enqueue_dma source(%dma_start3A_38 : memref<8192xf32, #tpu.memory_space<hbm>>) target(%dma_start3A_37 : memref<8192xf32, #tpu.memory_space<vmem>>) target_semaphore(%run_scoped3A : memref<!tpu.dma_semaphore, #tpu.memory_space<semaphore_mem>>)
      %dma_wait3A = arith.constant 16384 : i32
      %dma_wait3A_39 = tpu.memref_slice %arg6[%dma_wait3A] : memref<24576xf32, #tpu.memory_space<vmem>> -> memref<8192xf32, #tpu.memory_space<vmem>>
      %dma_wait3A_40 = tpu.memref_slice %arg2[%mul3A_20] : memref<786432xf32, #tpu.memory_space<hbm>> -> memref<8192xf32, #tpu.memory_space<hbm>>
      %dma_wait3A_41 = arith.constant 16384 : i32
      %dma_wait3A_42 = tpu.memref_slice %arg6[%dma_wait3A_41] : memref<24576xf32, #tpu.memory_space<vmem>> -> memref<8192xf32, #tpu.memory_space<vmem>>
      %dma_wait3A_43 = tpu.memref_slice %arg2[%mul3A_20] : memref<786432xf32, #tpu.memory_space<hbm>> -> memref<8192xf32, #tpu.memory_space<hbm>>
      tpu.wait_dma2 semaphore(%run_scoped3A : memref<!tpu.dma_semaphore, #tpu.memory_space<semaphore_mem>>) src(%dma_wait3A_43 : memref<8192xf32, #tpu.memory_space<hbm>>) dst(%dma_wait3A_42 : memref<8192xf32, #tpu.memory_space<vmem>>)
      tpu.yield
    }) : () -> ()
    %add3A_21 = arith.constant 64 : i32
    %add3A_22 = arith.addi %add3A_21, %add3A : i32
    %mul3A_23 = arith.constant 512 : i32
    %mul3A_24 = arith.muli %add3A_22, %mul3A_23 : i32
    "tpu.region"() ({
      %run_scoped3A = tpu.sem_alloc : memref<!tpu.dma_semaphore, #tpu.memory_space<semaphore_mem>>
      %dma_start3A = arith.constant 1024 : i32
      %dma_start3A_34 = tpu.memref_slice %arg8[%dma_start3A] : memref<1536xf32, #tpu.memory_space<vmem>> -> memref<512xf32, #tpu.memory_space<vmem>>
      %dma_start3A_35 = tpu.memref_slice %arg4[%mul3A_24] : memref<49152xf32, #tpu.memory_space<hbm>> -> memref<512xf32, #tpu.memory_space<hbm>>
      %dma_start3A_36 = arith.constant 1024 : i32
      %dma_start3A_37 = tpu.memref_slice %arg8[%dma_start3A_36] : memref<1536xf32, #tpu.memory_space<vmem>> -> memref<512xf32, #tpu.memory_space<vmem>>
      %dma_start3A_38 = tpu.memref_slice %arg4[%mul3A_24] : memref<49152xf32, #tpu.memory_space<hbm>> -> memref<512xf32, #tpu.memory_space<hbm>>
      tpu.enqueue_dma source(%dma_start3A_38 : memref<512xf32, #tpu.memory_space<hbm>>) target(%dma_start3A_37 : memref<512xf32, #tpu.memory_space<vmem>>) target_semaphore(%run_scoped3A : memref<!tpu.dma_semaphore, #tpu.memory_space<semaphore_mem>>)
      %dma_wait3A = arith.constant 1024 : i32
      %dma_wait3A_39 = tpu.memref_slice %arg8[%dma_wait3A] : memref<1536xf32, #tpu.memory_space<vmem>> -> memref<512xf32, #tpu.memory_space<vmem>>
      %dma_wait3A_40 = tpu.memref_slice %arg4[%mul3A_24] : memref<49152xf32, #tpu.memory_space<hbm>> -> memref<512xf32, #tpu.memory_space<hbm>>
      %dma_wait3A_41 = arith.constant 1024 : i32
      %dma_wait3A_42 = tpu.memref_slice %arg8[%dma_wait3A_41] : memref<1536xf32, #tpu.memory_space<vmem>> -> memref<512xf32, #tpu.memory_space<vmem>>
      %dma_wait3A_43 = tpu.memref_slice %arg4[%mul3A_24] : memref<49152xf32, #tpu.memory_space<hbm>> -> memref<512xf32, #tpu.memory_space<hbm>>
      tpu.wait_dma2 semaphore(%run_scoped3A : memref<!tpu.dma_semaphore, #tpu.memory_space<semaphore_mem>>) src(%dma_wait3A_43 : memref<512xf32, #tpu.memory_space<hbm>>) dst(%dma_wait3A_42 : memref<512xf32, #tpu.memory_space<vmem>>)
      tpu.yield
    }) : () -> ()
    %mul3A_25 = arith.constant 16384 : i32
    %mul3A_26 = arith.muli %add3A, %mul3A_25 : i32
    "tpu.region"() ({
      %run_scoped3A = tpu.sem_alloc : memref<!tpu.dma_semaphore, #tpu.memory_space<semaphore_mem>>
      %dma_start3A = tpu.memref_slice %arg3[%mul3A_26] : memref<524288xi32, #tpu.memory_space<hbm>> -> memref<16384xi32, #tpu.memory_space<hbm>>
      %dma_start3A_34 = tpu.memref_slice %arg3[%mul3A_26] : memref<524288xi32, #tpu.memory_space<hbm>> -> memref<16384xi32, #tpu.memory_space<hbm>>
      tpu.enqueue_dma source(%dma_start3A_34 : memref<16384xi32, #tpu.memory_space<hbm>>) target(%arg7 : memref<16384xi32, #tpu.memory_space<vmem>>) target_semaphore(%run_scoped3A : memref<!tpu.dma_semaphore, #tpu.memory_space<semaphore_mem>>)
      %dma_wait3A = tpu.memref_slice %arg3[%mul3A_26] : memref<524288xi32, #tpu.memory_space<hbm>> -> memref<16384xi32, #tpu.memory_space<hbm>>
      %dma_wait3A_35 = tpu.memref_slice %arg3[%mul3A_26] : memref<524288xi32, #tpu.memory_space<hbm>> -> memref<16384xi32, #tpu.memory_space<hbm>>
      tpu.wait_dma2 semaphore(%run_scoped3A : memref<!tpu.dma_semaphore, #tpu.memory_space<semaphore_mem>>) src(%dma_wait3A_35 : memref<16384xi32, #tpu.memory_space<hbm>>) dst(%arg7 : memref<16384xi32, #tpu.memory_space<vmem>>)
      tpu.yield
    }) : () -> ()
    %iota3A = tpu.iota {dimensions = array<i32: 0>} : vector<16xi32>
    %scan3A = arith.constant 0 : i32
    %scan3A_27 = arith.constant 0 : i32
    %scan3A_28 = arith.constant 1024 : i32
    %scan3A_29 = arith.addi %scan3A_27, %scan3A_28 : i32
    %scan3A_30 = arith.constant 1 : i32
    scf.for %scan3A_34 = %scan3A_27 to %scan3A_29 step %scan3A_30  : i32 {
      %mul3A_35 = arith.constant 16 : i32
      %mul3A_36 = arith.muli %scan3A_34, %mul3A_35 : i32
      %get3A = arith.index_cast %mul3A_36 : i32 to index
      %get3A_37 = tpu.vector_load %arg7[%get3A] {strides = array<i32>} : memref<16384xi32, #tpu.memory_space<vmem>>, vector<16xi32>,
      %jit3A = arith.constant 2 : i32
      %div3A = arith.divsi %scan3A_34, %jit3A : i32
      %sign3A = arith.constant 0 : i32
      %sign3A_38 = arith.cmpi sgt, %scan3A_34, %sign3A : i32
      %sign3A_39 = arith.extui %sign3A_38 : i1 to i32
      %sign3A_40 = arith.constant 0 : i32
      %sign3A_41 = arith.cmpi slt, %scan3A_34, %sign3A_40 : i32
      %sign3A_42 = arith.extui %sign3A_41 : i1 to i32
      %sign3A_43 = arith.subi %sign3A_39, %sign3A_42 : i32
      %sign3A_44 = arith.constant 0 : i32
      %sign3A_45 = arith.cmpi sgt, %jit3A, %sign3A_44 : i32
      %sign3A_46 = arith.extui %sign3A_45 : i1 to i32
      %sign3A_47 = arith.constant 0 : i32
      %sign3A_48 = arith.cmpi slt, %jit3A, %sign3A_47 : i32
      %sign3A_49 = arith.extui %sign3A_48 : i1 to i32
      %sign3A_50 = arith.subi %sign3A_46, %sign3A_49 : i32
      %ne3A = arith.cmpi ne, %sign3A_43, %sign3A_50 : i32
      %rem3A = arith.remsi %scan3A_34, %jit3A : i32
      %ne3A_51 = arith.constant 0 : i32
      %ne3A_52 = arith.cmpi ne, %rem3A, %ne3A_51 : i32
      %and3A = arith.andi %ne3A, %ne3A_52 : i1
      %sub3A = arith.constant 1 : i32
      %sub3A_53 = arith.subi %div3A, %sub3A : i32
      %select_n3A = arith.select %and3A, %sub3A_53, %div3A : i32
      %broadcast_in_dim3A = arith.constant 0 : i32
      %broadcast_in_dim3A_54 = vector.broadcast %broadcast_in_dim3A : i32 to vector<16xi32>
      %add3A_55 = vector.broadcast %select_n3A : i32 to vector<16xi32>
      %add3A_56 = arith.addi %broadcast_in_dim3A_54, %add3A_55 : vector<16xi32>
      %mul3A_57 = arith.constant 3 : i32
      %mul3A_58 = vector.broadcast %mul3A_57 : i32 to vector<16xi32>
      %mul3A_59 = arith.muli %iota3A, %mul3A_58 : vector<16xi32>
      %mul3A_60 = arith.constant 48 : i32
      %mul3A_61 = arith.muli %scan3A_34, %mul3A_60 : i32
      %add3A_62 = vector.broadcast %mul3A_61 : i32 to vector<16xi32>
      %add3A_63 = arith.addi %mul3A_59, %add3A_62 : vector<16xi32>
      %add3A_64 = arith.constant 0 : i32
      %add3A_65 = vector.broadcast %add3A_64 : i32 to vector<16xi32>
      %add3A_66 = arith.addi %add3A_56, %add3A_65 : vector<16xi32>
      %gather3A = tpu.vector_load_idx %arg8[%add3A_66] : memref<1536xf32, #tpu.memory_space<vmem>>[vector<16xi32>], vector<16xf32>,
      %add3A_67 = arith.constant 0 : i32
      %add3A_68 = vector.broadcast %add3A_67 : i32 to vector<16xi32>
      %add3A_69 = arith.addi %get3A_37, %add3A_68 : vector<16xi32>
      %gather3A_70 = tpu.vector_load_idx %arg6[%add3A_69] : memref<24576xf32, #tpu.memory_space<vmem>>[vector<16xi32>], vector<16xf32>,
      %add3A_71 = arith.constant 0 : i32
      %add3A_72 = vector.broadcast %add3A_71 : i32 to vector<16xi32>
      %add3A_73 = arith.addi %add3A_63, %add3A_72 : vector<16xi32>
      %sub3A_74 = arith.subf %gather3A_70, %gather3A : vector<16xf32>
      tpu.vector_store_idx %arg9[%add3A_73], %sub3A_74 : memref<49152xf32, #tpu.memory_space<vmem>>[vector<16xi32>], vector<16xf32>,
      %add3A_75 = arith.constant 512 : i32
      %add3A_76 = vector.broadcast %add3A_75 : i32 to vector<16xi32>
      %add3A_77 = arith.addi %add3A_56, %add3A_76 : vector<16xi32>
      %gather3A_78 = tpu.vector_load_idx %arg8[%add3A_77] : memref<1536xf32, #tpu.memory_space<vmem>>[vector<16xi32>], vector<16xf32>,
      %add3A_79 = arith.constant 8192 : i32
      %add3A_80 = vector.broadcast %add3A_79 : i32 to vector<16xi32>
      %add3A_81 = arith.addi %get3A_37, %add3A_80 : vector<16xi32>
      %gather3A_82 = tpu.vector_load_idx %arg6[%add3A_81] : memref<24576xf32, #tpu.memory_space<vmem>>[vector<16xi32>], vector<16xf32>,
      %add3A_83 = arith.constant 1 : i32
      %add3A_84 = vector.broadcast %add3A_83 : i32 to vector<16xi32>
      %add3A_85 = arith.addi %add3A_63, %add3A_84 : vector<16xi32>
      %sub3A_86 = arith.subf %gather3A_82, %gather3A_78 : vector<16xf32>
      tpu.vector_store_idx %arg9[%add3A_85], %sub3A_86 : memref<49152xf32, #tpu.memory_space<vmem>>[vector<16xi32>], vector<16xf32>,
      %add3A_87 = arith.constant 1024 : i32
      %add3A_88 = vector.broadcast %add3A_87 : i32 to vector<16xi32>
      %add3A_89 = arith.addi %add3A_56, %add3A_88 : vector<16xi32>
      %gather3A_90 = tpu.vector_load_idx %arg8[%add3A_89] : memref<1536xf32, #tpu.memory_space<vmem>>[vector<16xi32>], vector<16xf32>,
      %add3A_91 = arith.constant 16384 : i32
      %add3A_92 = vector.broadcast %add3A_91 : i32 to vector<16xi32>
      %add3A_93 = arith.addi %get3A_37, %add3A_92 : vector<16xi32>
      %gather3A_94 = tpu.vector_load_idx %arg6[%add3A_93] : memref<24576xf32, #tpu.memory_space<vmem>>[vector<16xi32>], vector<16xf32>,
      %add3A_95 = arith.constant 2 : i32
      %add3A_96 = vector.broadcast %add3A_95 : i32 to vector<16xi32>
      %add3A_97 = arith.addi %add3A_63, %add3A_96 : vector<16xi32>
      %sub3A_98 = arith.subf %gather3A_94, %gather3A_90 : vector<16xf32>
      tpu.vector_store_idx %arg9[%add3A_97], %sub3A_98 : memref<49152xf32, #tpu.memory_space<vmem>>[vector<16xi32>], vector<16xf32>,
    }
    %scan3A_31 = arith.constant 1024 : i32
    %mul3A_32 = arith.constant 49152 : i32
    %mul3A_33 = arith.muli %add3A, %mul3A_32 : i32
    "tpu.region"() ({
      %run_scoped3A = tpu.sem_alloc : memref<!tpu.dma_semaphore, #tpu.memory_space<semaphore_mem>>
      %dma_start3A = tpu.memref_slice %arg5[%mul3A_33] : memref<1572864xf32, #tpu.memory_space<hbm>> -> memref<49152xf32, #tpu.memory_space<hbm>>
      %dma_start3A_34 = tpu.memref_slice %arg5[%mul3A_33] : memref<1572864xf32, #tpu.memory_space<hbm>> -> memref<49152xf32, #tpu.memory_space<hbm>>
      tpu.enqueue_dma source(%arg9 : memref<49152xf32, #tpu.memory_space<vmem>>) target(%dma_start3A_34 : memref<49152xf32, #tpu.memory_space<hbm>>) target_semaphore(%run_scoped3A : memref<!tpu.dma_semaphore, #tpu.memory_space<semaphore_mem>>)
      %dma_wait3A = tpu.memref_slice %arg5[%mul3A_33] : memref<1572864xf32, #tpu.memory_space<hbm>> -> memref<49152xf32, #tpu.memory_space<hbm>>
      %dma_wait3A_35 = tpu.memref_slice %arg5[%mul3A_33] : memref<1572864xf32, #tpu.memory_space<hbm>> -> memref<49152xf32, #tpu.memory_space<hbm>>
      tpu.wait_dma2 semaphore(%run_scoped3A : memref<!tpu.dma_semaphore, #tpu.memory_space<semaphore_mem>>) src(%arg9 : memref<49152xf32, #tpu.memory_space<vmem>>) dst(%dma_wait3A_35 : memref<49152xf32, #tpu.memory_space<hbm>>)
      tpu.yield
    }) : () -> ()
    return
  }
}

</mosaic_0001>

<sc_bundles>
// kernel: _gather_sc.3.cloned.1.call-start
scs
__scs_entry_jumppad:
0x0: {  	(pc) =	sbr.rel $0x88, $3  }
0x1: {  	(tag) =	ssettag $0x0;
	lr =	simm.s32 $0x1  }
0x2: {  	[smem:$0x3F9E] =	sst lr;
	_ =	strace $0xD0000000  }
0x3: {  	_ = 	snop  }
0x4: {  	_ = 	snop  }
0x5: {  	_ = 	snop  }
0x6: {  	_ = 	snop  }
0x7: {  	_ = 	snop  }
__scs_overlays_trampoline_lowered:
0x8: {  	[smem:$0x3FAD] =	sst s0  }
0x9: {  	[smem:$0x3FAE] =	sst s1  }
0xa: {  	[smem:$0x3FAF] =	sst s2  }
0xb: {  	[smem:$0x3FB0] =	sst s3  }
0xc: {  	[smem:$0x3FB1] =	sst s4  }
0xd: {  	[smem:$0x3FB2] =	sst s5  }
0xe: {  	[smem:$0x3FB3] =	sst s6  }
0xf: {  	[smem:$0x3FB4] =	sst s7  }
0x10: {  	[smem:$0x3FB5] =	sst s8  }
0x11: {  	[smem:$0x3FB6] =	sst s9;
	s0 =	simm.s32 @!p0 $0x0  }
0x12: {  	s1 =	sld [smem:$0x3F9C];
	s0 =	simm.s32 @p0 $0x1  }
0x13: {  	[smem:$0x3FB7] =	sst s0;
	s0 =	simm.s32 @!p1 $0x0  }
0x14: {  	s2 =	sld [smem:$0x3F9B];
	s0 =	simm.s32 @p1 $0x1  }
0x15: {  	[smem:$0x3FB8] =	sst s0;
	s0 =	simm.s32 @!p2 $0x0  }
0x16: {  	s3 =	sld [smem:$0x3FDB];
	s0 =	simm.s32 @p2 $0x1  }
0x17: {  	s4 =	simm.s32 $0x1BF5;
	[smem:$0x3FBA] =	sst s0  }
0x18: {  	s0 =	sld [smem:$0x3F9D];
	_ =	swait.ge [sflag:s4], $0x0  }
0x19: {  	s7 =	sld [smem:$0x3F9E]  }
0x1a: {  	s8 =	sadd.s32 $0xFFFFE003, lr  }
0x1b: {  	s9 =	sadd.s32 $0xFFFFFEF7, lr;
	s5 =	simm.s32 $0xFFFFFFFF;
	p2 =	slt.u32 s8, $0xFFFFF086  }
0x1c: {  	p1 =	slt.u32 s9, $0xF7A;
	s5 =	simm.s32 @!p2 $0x0  }
0x1d: {  	s5 =	simm.s32 @p1 $0x1;
	p0 =	seq.s32 s7, s2  }
0x1e: {  	s7 =	smul.u32 @!p0 $0xF7A, s2;
	p2 =	seq.s32 @!p0 s5, $0x0  }
0x1f: {  	s9 =	smul.u32 $0xF7A, s1;
	s8 =	simm.s32 @!p0 $0x1BF5;
	p2 =	por !p2, p0  }
0x20: {  	[sflag:s8] =	ssyncset.s32 @!p0 $0xFFFFF086;
	s6 =	sadd.s32 @!p0 s3, s7;
	s7 =	simm.s32 @!p0 $0x108  }
0x21: {  	s3 =	sadd.s32 s3, s9;
	s6 =	sadd.s32 @!p0 $0x88, s6;
	s7 =	simm.s32 @p2 $0x1082  }
0x22: {  	[simem:s7], [sflag:s8] =	dma.local @!p0 [hbm:s6], $0xF7A  }
0x23: {  	s9 =	sor.u32 $0xD0000000, s2;
	s6 =	simm.s32 $0x108;
	_ =	swait.ge @!p0 [sflag:s8], $0x0  }
0x24: {  	s3 =	sadd.s32 $0x88, s3;
	s6 =	simm.s32 @!p1 $0x1082;
	[sflag:s4] =	ssyncset.s32 $0xFFFFF086  }
0x25: {  	[simem:s6], [sflag:s4] =	dma.local [hbm:s3], $0xF7A  }
0x26: {  	[smem:$0x3F9E] =	sst s1;
	(tag) =	ssettag s2;
	_ =	strace s9  }
0x27: {  	s1 =	sld [smem:$0x3FAE]  }
0x28: {  	s2 =	sld [smem:$0x3FAF]  }
0x29: {  	s4 =	sld [smem:$0x3FB1]  }
0x2a: {  	p0 =	seq.s32 s5, $0x0;
	s5 =	sld [smem:$0x3FB2]  }
0x2b: {  	s6 =	sld [smem:$0x3FB3]  }
0x2c: {  	s7 =	sld [smem:$0x3FB4]  }
0x2d: {  	s3 =	simm.s32 $0x108;
	s8 =	sld [smem:$0x3FB5]  }
0x2e: {  	s3 =	simm.s32 @!p0 $0x1082;
	s9 =	sld [smem:$0x3FB6]  }
0x2f: {  	lr =	sadd.s32 s0, s3;
	s0 =	sld [smem:$0x3FAD]  }
0x30: {  	s3 =	sld [smem:$0x3FB0]  }
0x31: {  	[smem:$0x3FB9] =	sst s10  }
0x32: {  	s10 =	sld [smem:$0x3FB7];
	_ =	sdelay $0x3  }
0x33: {  	p0 =	seq.s32 s10, $0x1;
	s10 =	sld [smem:$0x3FB9];
	_ =	sdelay $0x3  }
0x34: {  	[smem:$0x3FB9] =	sst s10  }
0x35: {  	s10 =	sld [smem:$0x3FB8];
	_ =	sdelay $0x3  }
0x36: {  	p1 =	seq.s32 s10, $0x1;
	s10 =	sld [smem:$0x3FB9];
	_ =	sdelay $0x3  }
0x37: {  	[smem:$0x3FB9] =	sst s10  }
0x38: {  	s10 =	sld [smem:$0x3FBA]  }
0x39: {  	_ = 	snop;
	(pc) =	sbr.ind lr, $3  }
0x3a: {  	_ = 	snop  }
0x3b: {  	_ = 	snop  }
0x3c: {  	p2 =	seq.s32 s10, $0x1;
	s10 =	sld [smem:$0x3FB9]  }
0x3d: {  	_ =	shalt  }
0x3e: {  	_ =	shalt  }
0x3f: {  	_ =	shalt  }
0x40: {  	_ =	shalt  }
0x41: {  	_ =	shalt  }
0x42: {  	_ =	shalt  }
0x43: {  	_ =	shalt  }
0x44: {  	_ =	shalt  }
0x45: {  	_ =	shalt  }
0x46: {  	_ =	shalt  }
0x47: {  	_ =	shalt  }
0x48: {  	_ =	shalt  }
0x49: {  	_ =	shalt  }
0x4a: {  	_ =	shalt  }
0x4b: {  	_ =	shalt  }
0x4c: {  	_ =	shalt  }
0x4d: {  	_ =	shalt  }
0x4e: {  	_ =	shalt  }
0x4f: {  	_ =	shalt  }
0x50: {  	_ =	shalt  }
0x51: {  	_ =	shalt  }
0x52: {  	_ =	shalt  }
0x53: {  	_ =	shalt  }
0x54: {  	_ =	shalt  }
0x55: {  	_ =	shalt  }
0x56: {  	_ =	shalt  }
0x57: {  	_ =	shalt  }
0x58: {  	_ =	shalt  }
0x59: {  	_ =	shalt  }
0x5a: {  	_ =	shalt  }
0x5b: {  	_ =	shalt  }
0x5c: {  	_ =	shalt  }
0x5d: {  	_ =	shalt  }
0x5e: {  	_ =	shalt  }
0x5f: {  	_ =	shalt  }
0x60: {  	_ =	shalt  }
0x61: {  	_ =	shalt  }
0x62: {  	_ =	shalt  }
0x63: {  	_ =	shalt  }
0x64: {  	_ =	shalt  }
0x65: {  	_ =	shalt  }
0x66: {  	_ =	shalt  }
0x67: {  	_ =	shalt  }
0x68: {  	_ =	shalt  }
0x69: {  	_ =	shalt  }
0x6a: {  	_ =	shalt  }
0x6b: {  	_ =	shalt  }
0x6c: {  	_ =	shalt  }
0x6d: {  	_ =	shalt  }
0x6e: {  	_ =	shalt  }
0x6f: {  	_ =	shalt  }
0x70: {  	_ =	shalt  }
0x71: {  	_ =	shalt  }
0x72: {  	_ =	shalt  }
0x73: {  	_ =	shalt  }
0x74: {  	_ =	shalt  }
0x75: {  	_ =	shalt  }
0x76: {  	_ =	shalt  }
0x77: {  	_ =	shalt  }
0x78: {  	_ =	shalt  }
0x79: {  	_ =	shalt  }
0x7a: {  	_ =	shalt  }
0x7b: {  	_ =	shalt  }
0x7c: {  	_ =	shalt  }
0x7d: {  	_ =	shalt  }
0x7e: {  	_ =	shalt  }
0x7f: {  	_ =	shalt  }
0x80: {  	_ =	shalt  }
0x81: {  	_ =	shalt  }
0x82: {  	_ =	shalt  }
0x83: {  	_ =	shalt  }
0x84: {  	_ =	shalt  }
0x85: {  	_ =	shalt  }
0x86: {  	_ =	shalt  }
0x87: {  	_ =	shalt  }
.Lfunc_end0:
.L_simem_size_0:
called_computation_lowered:
.L_overlay_start_0:
0x88: {  	s2 =	sld [smem:$0x3FD9]  }
0x89: {  	s3 =	sld [smem:$0x3FFE];
	_ =	sdelay $0x1  }
0x8a: {  	s1 =	srdreg.scid  }
0x8b: {  	s0 =	sand.u32 $0x1, s1  }
0x8c: {  	s18 =	sshll.u32 s0, $0xA;
	s2 =	sadd.s32 s3, s2  }
0x8d: {  	s2 =	sadd.s32 s2, s18  }
0x8e: {  	[smem:$0x3FC5] =	sst s2  }
0x8f: {  	_ = 	snop  }
0x90: {  	s2 =	sld [smem:$0x3FC9]  }
0x91: {  	s19 =	sld [smem:$0x3FC8]  }
0x92: {  	s4 =	sld [smem:$0x3FC7]  }
0x93: {  	s5 =	sld [smem:$0x3FD0];
	(tm) =	ssettm $0x1  }
0x94: {  	s6 =	sld [smem:$0x3FFB];
	_ =	sdelay $0x3  }
0x95: {  	_ =	strace s6  }
0x96: {  	s6 =	sld [smem:$0x3FFC];
	_ =	sdelay $0x3  }
0x97: {  	_ =	strace s6  }
0x98: {  	s6 =	sld [smem:$0x3FFD];
	_ =	sdelay $0x3  }
0x99: {  	_ =	strace s6  }
0x9a: {  	_ =	strace $0x8FFFFFFF  }
0x9b: {  	s20 =	sld [smem:$0x3FDB];
	_ =	sdelay $0x1  }
0x9c: {  	s7 =	simm.s32 $_scs_section_size  }
0x9d: {  	s8 =	simm.s32 $_size__tile_overlayer_lowered;
	s9 =	simm.s32 $_tile_overlayer_lowered  }
0x9e: {  	s23 =	simm.s32 $0x1BFF;
	s22 =	sshll.u32 s9, $0x1;
	s6 =	sadd.s32 s7, s20  }
0x9f: {  	s10 =	simm.s32 $0x0;
	s21 =	sshll.u32 s8, $0x1;
	s8 =	sadd.s32 s22, s6  }
0xa0: {  	[timem:s10], [sflag:s23] =	dma.local [hbm:s8], s21  }
0xa1: {  	_ =	swait.ge [sflag:s23], s21  }
0xa2: {  	s7 =	ssub.s32 $0x0, s21;
	[sflag:s23] =	ssyncset.done $0x0  }
0xa3: {  	[sflag:s23] =	ssyncadd.s32 s7;
	_ =	sdelay $0x1  }
0xa4: {  	s24 =	simm.s32 $0x1B8B  }
0xa5: {  	_ =	swait.ge [sflag:s24], $0x1  }
0xa6: {  	[sflag:s24] =	ssyncset.done $0x0  }
0xa7: {  	s25 =	simm.s32 $0x1B8E;
	[sflag:s24] =	ssyncadd.s32 $0xFFFFFFFF  }
0xa8: {  	s26 =	simm.s32 $execute0_lowered;
	[smem:$0x3FD2] =	sst s25  }
0xa9: {  	s7 =	sshll.u32 s26, $0x1;
	_ =	strace $0x80000046;
	[dreg:$0x1] =	wrdreg $0xFFFFFFFF  }
0xaa: {  	s28 =	simm.s32 $_size_execute0_lowered;
	s6 =	sadd.s32 s6, s7;
	[dreg:$0x0] =	wrdreg $0x0  }
0xab: {  	s7 =	sshll.u32 s28, $0x1;
	[dreg:$0x2] =	wrdreg s6  }
0xac: {  	[dreg:$0x3] =	wrdreg s7  }
0xad: {  	[dreg:$0x4] =	wrdreg $0xC0  }
0xae: {  	_ =	task [dreg:s10], $0x5FFFF  }
0xaf: {  	[dreg:$0x1] =	wrdreg $0xFFFFFFFF  }
0xb0: {  	[dreg:$0x0] =	wrdreg $0x60  }
0xb1: {  	[dreg:$0x2] =	wrdreg s2  }
0xb2: {  	[dreg:$0x3] =	wrdreg s19  }
0xb3: {  	[dreg:$0x4] =	wrdreg s4  }
0xb4: {  	[dreg:$0x5] =	wrdreg s5  }
0xb5: {  	[dreg:$0x6] =	wrdreg $0x9  }
0xb6: {  	_ =	task.clear_ibuf [dreg:s10], $0x7FFFF;
	_ =	strace $0x90000046  }
0xb7: {  	s29 =	simm.s32 $0x9;
	_ =	strace $0x80000048  }
0xb8: {  	_ =	swait.ge [sflag:s29], $0x1  }
0xb9: {  	[sflag:s29] =	ssyncadd.s32 $0xFFFFFFFF  }
0xba: {  	_ =	strace $0x90000048  }
0xbb: {  	_ =	sfence  }
0xbc: {  	s30 =	sld [smem:$0x0];
	_ =	sdelay $0x2  }
0xbd: {  	s31 =	sshll.u32 s1, $0xD;
	s1 =	sshrl.u32 s1, $0x2  }
0xbe: {  	s3 =	sand.u32 $0x4000, s31;
	s1 =	sadd.s32 s1, s30  }
0xbf: {  	s0 =	sor.u32 s3, s0;
	s1 =	sshll.u32 s1, $0x11  }
0xc0: {  	s0 =	sor.u32 s1, s0  }
0xc1: {  	s0 =	sadd.s32 $0x8F2B, s0  }
0xc2: {  	[sflag:s0] =	ssyncadd.remote.s32 $0x1  }
0xc3: {  	_ =	sfence.sel $0xFFFF  }
0xc4: {  	[dreg:$0x0] =	wrdreg $0xFFFFFFFF;
	(pc) =	sbr.abs _section_cstart, $3  }
0xc5: {  	[dreg:$0x1] =	wrdreg $0xFFFFFFFF  }
0xc6: {  	_ =	task.clear_ibuf [dreg:s10], $0x2FFFF;
	_ =	strace $0x9FFFFFFF  }
0xc7: {  	(tm) =	ssettm $0x7FFFFFFF  }
tec
execute0_lowered:
.L_overlay_start_1:
0x0: {  	(tag) =	ssettag $0x1  }
0x1: {  	s7 =	rddreg [dreg:$0x0]  }
0x2: {  	s9 =	rddreg [dreg:$0x1]  }
0x3: {  	s8 =	rddreg [dreg:$0x2]  }
0x4: {  	s10 =	rddreg [dreg:$0x3]  }
0x5: {  	s1 =	srdreg.scid;
	s0 =	rddreg [dreg:$0x4];
	s2 =	simm.s32 $0x0  }
0x6: {  	s16 =	simm.s32 $0x4000;
	s17 =	simm.s32 $0xA400;
	s18 =	simm.s32 $0xA600  }
0x7: {  	s19 =	simm.s32 $0x0;
	s3 =	sand.u32 $0x1, s1;
	s1 =	stileid.u32  }
0x8: {  	[smem:$0x7FF] =	sst s2;
	s4 =	ssub.s32 $0x2, s3;
	s6 =	sshll.u32 s1, $0x1  }
0x9: {  	_ =	strace $0x80000047;
	s5 =	sshrl.u32 s4, $0x1;
	s12 =	sor.u32 s3, s6  }
0xa: {  	s11 =	ssub.s32 s4, s5;
	s3 =	sshll.u32 s12, $0xA;
	s30 =	sshll.u32 s12, $0x6  }
0xb: {  	s6 =	sor.u32 $0x20, s12;
	s13 =	sor.u32 $0x40, s12;
	s15 =	smul.u32 $0x1800, s12  }
0xc: {  	s12 =	sshll.u32 s12, $0xB;
	s3 =	sadd.s32 s7, s3;
	s4 =	sadd.s32 s8, s30  }
0xd: {  	s31 =	sshll.u32 s6, $0xA;
	s6 =	sshll.u32 s6, $0x6;
	s14 =	sshll.u32 s13, $0xA  }
0xe: {  	v0 =	vlaneseq.u32;
	s13 =	sshll.u32 s13, $0x6;
	s9 =	sadd.s32 s9, s12;
	s11 =	smax.u32 s11, $0x1  }
0xf: {  	v0 =	vmul.u32 $0x3, v0;
	s12 =	simm.s32 $0x1;
	s5 =	sadd.s32 s7, s31;
	s6 =	sadd.s32 s8, s6  }
0x10: {  	s7 =	sadd.s32 s7, s14;
	s8 =	sadd.s32 s8, s13;
	s10 =	sadd.s32 s10, s15  }
0x11: {  	v1 =	vadd.s32 $0x1, v0;
	v2 =	vadd.s32 $0x2, v0;
	s13 =	simm.s32 $0xA000;
	s14 =	simm.s32 $0x2000;
	s15 =	simm.s32 $0xA200  }
.LBB2_1:
0x12: {  	[tilespmem:s2], [sflag:$0x1] =	stream.linear.gather [hbm4b:s3+s2], $0x2000, $0x38;
	[tilespmem:$0x16600] =	vst v63  }
0x13: {  	_ =	swait.ge [sflag:s12], $0x2000  }
0x14: {  	[sflag:s12] =	ssyncset.done $0x0  }
0x15: {  	[sflag:s12] =	ssyncadd.s32 $0xFFFFE000  }
0x16: {  	[tilespmem:s13], [sflag:$0x1] =	stream.linear.gather [hbm4b:s4+s2], $0x200, $0x38;
	[tilespmem:$0x16600] =	vst v63  }
0x17: {  	_ =	swait.ge [sflag:s12], $0x200  }
0x18: {  	[sflag:s12] =	ssyncset.done $0x0  }
0x19: {  	[sflag:s12] =	ssyncadd.s32 $0xFFFFFE00  }
0x1a: {  	[tilespmem:s14], [sflag:$0x1] =	stream.linear.gather [hbm4b:s5+s2], $0x2000, $0x38;
	[tilespmem:$0x16600] =	vst v63  }
0x1b: {  	_ =	swait.ge [sflag:s12], $0x2000  }
0x1c: {  	[sflag:s12] =	ssyncset.done $0x0  }
0x1d: {  	[sflag:s12] =	ssyncadd.s32 $0xFFFFE000  }
0x1e: {  	[tilespmem:s15], [sflag:$0x1] =	stream.linear.gather [hbm4b:s6+s2], $0x200, $0x38;
	[tilespmem:$0x16600] =	vst v63  }
0x1f: {  	_ =	swait.ge [sflag:s12], $0x200  }
0x20: {  	[sflag:s12] =	ssyncset.done $0x0  }
0x21: {  	[sflag:s12] =	ssyncadd.s32 $0xFFFFFE00  }
0x22: {  	[tilespmem:s16], [sflag:$0x1] =	stream.linear.gather [hbm4b:s7+s2], $0x2000, $0x38;
	[tilespmem:$0x16600] =	vst v63  }
0x23: {  	_ =	swait.ge [sflag:s12], $0x2000  }
0x24: {  	[sflag:s12] =	ssyncset.done $0x0  }
0x25: {  	[sflag:s12] =	ssyncadd.s32 $0xFFFFE000  }
0x26: {  	[tilespmem:s17], [sflag:$0x1] =	stream.linear.gather [hbm4b:s8+s2], $0x200, $0x38;
	[tilespmem:$0x16600] =	vst v63  }
0x27: {  	_ =	swait.ge [sflag:s12], $0x200  }
0x28: {  	[sflag:s12] =	ssyncset.done $0x0  }
0x29: {  	s20 =	simm.s32 $0x6000;
	[sflag:s12] =	ssyncadd.s32 $0xFFFFFE00  }
0x2a: {  	[tilespmem:s20], [sflag:$0x1] =	stream.linear.gather [hbm4b:s9+s2], $0x4000, $0x38;
	[tilespmem:$0x16600] =	vst v63  }
0x2b: {  	_ =	swait.ge [sflag:s12], $0x4000  }
0x2c: {  	[sflag:s12] =	ssyncset.done $0x0  }
0x2d: {  	[sflag:s12] =	ssyncadd.s32 $0xFFFFC000  }
0x2e: {  	v3 =	vld [tilespmem:s20+$0x0]  }
0x2f: {  	s21 =	simm.s32 $0x0  }
0x30: {  	v4 =	vmov s21;
	_ =	sdelay $0x4  }
0x31: {  	v5 =	vld.idx.msk [tilespmem:v4+s13+$0x0], $0xffff  }
0x32: {  	v6 =	vld.idx.msk [tilespmem:v3+s2+$0x0], $0xffff;
	_ =	sdelay $0x1  }
0x33: {  	v7 =	vadd.s32 s2, v0  }
0x34: {  	v8 =	vor.u32 $0x200, v4  }
0x35: {  	v9 =	vadd.s32 $0x2000, v3  }
0x36: {  	v5 =	vsub.f32 v6, v5;
	_ =	sdelay $0x1  }
0x37: {  	[tilespmem:v7+s18+$0x0] =	vst.idx.msk $0xffff, v5  }
0x38: {  	v5 =	vld.idx.msk [tilespmem:v8+s13+$0x0], $0xffff  }
0x39: {  	v6 =	vld.idx.msk [tilespmem:v9+s2+$0x0], $0xffff;
	_ =	sdelay $0x1  }
0x3a: {  	v7 =	vadd.s32 s2, v1  }
0x3b: {  	v4 =	vor.u32 $0x400, v4  }
0x3c: {  	v63 =	vadd.s32 $0x4000, v3  }
0x3d: {  	v3 =	vsub.f32 v6, v5;
	_ =	sdelay $0x1  }
0x3e: {  	[tilespmem:v7+s18+$0x0] =	vst.idx.msk $0xffff, v3  }
0x3f: {  	v3 =	vld.idx.msk [tilespmem:v4+s13+$0x0], $0xffff  }
0x40: {  	v5 =	vld.idx.msk [tilespmem:v63+s2+$0x0], $0xffff;
	_ =	sdelay $0x1  }
0x41: {  	s22 =	simm.s32 $0x0;
	s21 =	simm.s32 $0x1;
	v4 =	vadd.s32 s2, v2  }
.LBB2_2:
0x42: {  	_ = 	snop  }
0x43: {  	p0 =	sne.s32 s21, $0x3FF;
	s22 =	sadd.s32 $0x30, s22;
	s20 =	sadd.s32 $0x10, s20  }
0x44: {  	s23 =	smov.u32 s21;
	s21 =	sadd.s32 $0x1, s21;
	v3 =	vsub.f32 v5, v3;
	_ =	sdelay $0x1  }
0x45: {  	[tilespmem:v4+s18+$0x0] =	vst.idx.msk $0xffff, v3  }
0x46: {  	v3 =	vld [tilespmem:s20+$0x0]  }
0x47: {  	s23 =	sshrl.u32 s23, $0x1  }
0x48: {  	v4 =	vmov s23;
	_ =	sdelay $0x4  }
0x49: {  	v5 =	vld.idx.msk [tilespmem:v4+s13+$0x0], $0xffff  }
0x4a: {  	v6 =	vld.idx.msk [tilespmem:v3+s2+$0x0], $0xffff;
	_ =	sdelay $0x2  }
0x4b: {  	v7 =	vadd.s32 s22, v0  }
0x4c: {  	v8 =	vor.u32 $0x200, v4  }
0x4d: {  	v9 =	vadd.s32 $0x2000, v3  }
0x4e: {  	v5 =	vsub.f32 v6, v5;
	_ =	sdelay $0x1  }
0x4f: {  	[tilespmem:v7+s18+$0x0] =	vst.idx.msk $0xffff, v5  }
0x50: {  	v5 =	vld.idx.msk [tilespmem:v8+s13+$0x0], $0xffff  }
0x51: {  	v6 =	vld.idx.msk [tilespmem:v9+s2+$0x0], $0xffff;
	_ =	sdelay $0x2  }
0x52: {  	v7 =	vadd.s32 s22, v1  }
0x53: {  	v4 =	vor.u32 $0x400, v4;
	v8 =	vadd.s32 $0x4000, v3;
	_ =	sdelay $0x1  }
0x54: {  	v3 =	vsub.f32 v6, v5;
	_ =	sdelay $0x1  }
.Ltmp0:
0x55: {  	[tilespmem:v7+s18+$0x0] =	vst.idx.msk $0xffff, v3;
	(pc) =	sbr.rel @p0 .LBB2_2-.Ltmp0, $3  }
0x56: {  	v3 =	vld.idx.msk [tilespmem:v4+s13+$0x0], $0xffff  }
0x57: {  	v5 =	vld.idx.msk [tilespmem:v8+s2+$0x0], $0xffff;
	_ =	sdelay $0x1  }
0x58: {  	v4 =	vadd.s32 s22, v2  }
0x59: {  	_ =	sdelay $0x1  }
0x5a: {  	s19 =	sadd.s32 $0x1, s19;
	v3 =	vsub.f32 v5, v3  }
0x5b: {  	p0 =	sne.s32 s19, s11  }
.Ltmp1:
0x5c: {  	[tilespmem:v4+s18+$0x0] =	vst.idx.msk $0xffff, v3;
	(pc) =	sbr.rel @p0 .LBB2_1-.Ltmp1, $4  }
0x5d: {  	[hbm4b:s10+s2] =	stream.linear.scatter [tilespmem:s18], [sflag:$0x1], $0xC000, $0x38;
	[tilespmem:$0x16600] =	vst v63  }
0x5e: {  	_ =	swait.ge [sflag:s12], $0xC000  }
0x5f: {  	[sflag:s12] =	ssyncset.done $0x0  }
0x60: {  	[sflag:s12] =	ssyncadd.s32 $0xFFFF4000  }
0x61: {  	_ =	sfence.sel $0x180000  }
0x62: {  	[bflag:$0x0] =	sbarrier.arrive $0xFFFF  }
0x63: {  	p0 =	sne.s32 s1, $0x0;
	_ =	strace $0x90000047  }
0x64: {  	s0 =	sadd.s32 @!p0 $0x100000, s0;
	[bflag:$0x2] =	sbarrier.arrive $0xFFFF  }
0x65: {  	[sflag:s0] =	ssyncadd.tile.s32 @!p0 $0x1;
	_ =	shalt  }
.Lfunc_end2:
_tile_overlayer_lowered:
.L_overlay_start_2:
0x66: {  	(tag) =	ssettag $0x2  }
0x67: {  	s0 =	rddreg [dreg:$0x0];
	s2 =	stileid.u32  }
0x68: {  	s1 =	rddreg [dreg:$0x1];
	p0 =	sne.s32 s2, $0x0  }
0x69: {  	s3 =	rddreg [dreg:$0x2];
	[bflag:$0x3] =	sbarrier.arrive $0xFFFF;
	s2 =	simm.s32 @!p0 $0x1C01  }
0x6a: {  	[timem:s3], [sflag:s2] =	dma.local @!p0 [hbm:s0], s1  }
0x6b: {  	s0 =	simm.s32 @!p0 $0x1  }
0x6c: {  	_ =	swait.ge @!p0 [sflag:s0], s1  }
0x6d: {  	s1 =	ssub.s32 @!p0 $0x0, s1;
	[sflag:s0] =	ssyncset.done @!p0 $0x0  }
0x6e: {  	[sflag:s0] =	ssyncadd.s32 @!p0 s1  }
0x6f: {  	[bflag:$0x3] =	sbarrier.arrive $0xFFFF  }
0x70: {  	_ =	shalt  }

</sc_bundles>
